<compile_context>
chip_gen: v7x
topology: tpu7x:2x2x1
jax: 0.10.2.dev20260603
libtpu: 0.0.44.dev20260713+nightly
codegen_flags: <defaults>
</compile_context>

<pallas_src>
import functools

import jax
import jax.numpy as jnp
from jax import lax
from jax.experimental import pallas as pl
from jax.experimental.pallas import tpu as pltpu
from jax.experimental.pallas import tpu_sc as plsc

N_NODES = 10000
N_EDGES = 320000
DIM = 64
EDGE_DIM = 7
POINT_DIM = 3
N_GRAPHS = 128
TPG = 16
ACTION_DIM = 36


_SC_INFO = plsc.get_sparse_core_info()
_NC, _NS, _L = _SC_INFO.num_cores, _SC_INFO.num_subcores, _SC_INFO.num_lanes
_NW = _NC * _NS
_SC_MESH = plsc.VectorSubcoreMesh(core_axis_name="c", subcore_axis_name="s")
_SC_PARAMS = pltpu.CompilerParams(needs_layout_passes=False)

_EPW = N_EDGES // _NW


def _deg_body(dst_hbm, out_hbm, dst_v, hist_v, sem):
    wid = lax.axis_index("s") * _NC + lax.axis_index("c")
    base = wid * _EPW
    pltpu.sync_copy(dst_hbm.at[pl.ds(base, _EPW)], dst_v)
    zeros = jnp.zeros((_L,), jnp.float32)
    ones = jnp.ones((_L,), jnp.float32)

    def zero_body(i, _):
        hist_v[pl.ds(i * _L, _L)] = zeros
        return 0

    lax.fori_loop(0, N_NODES // _L, zero_body, 0)

    def acc_body(g, _):
        dv = dst_v[pl.ds(g * _L, _L)]
        plsc.addupdate_scatter(hist_v, [dv], ones)
        return 0

    lax.fori_loop(0, _EPW // _L, acc_body, 0)
    pltpu.sync_copy(hist_v, out_hbm.at[wid])


@functools.partial(jax.jit, static_argnames=())
def _sc_deg(dst):
    k = pl.kernel(
        _deg_body,
        out_type=jax.ShapeDtypeStruct((_NW, N_NODES), jnp.float32),
        mesh=_SC_MESH,
        scratch_types=[
            pltpu.VMEM((_EPW,), jnp.int32),
            pltpu.VMEM((N_NODES,), jnp.float32),
            pltpu.SemaphoreType.DMA,
        ],
        compiler_params=_SC_PARAMS,
    )
    return k(dst)


_FPW = DIM // _NW
_MSG_CH = 6400
_NCHUNK = N_EDGES // _MSG_CH
_UNROLL = 8


def _msg_body(pt_hbm, et_hbm, src_hbm, dst_hbm, out_hbm, p0, p1, a0, a1,
              e0A, e0B, e1A, e1B, sA, sB, dA, dB, sem):
    wid = lax.axis_index("s") * _NC + lax.axis_index("c")
    fbase = wid * _FPW
    slots = ((e0A, e1A, sA, dA), (e0B, e1B, sB, dB))

    def start_chunk(c, slot):
        e0b, e1b, sb, db = slots[slot]
        ecp0 = pltpu.async_copy(
            et_hbm.at[pl.ds(fbase * N_EDGES + c * _MSG_CH, _MSG_CH)], e0b, sem)
        ecp1 = pltpu.async_copy(
            et_hbm.at[pl.ds((fbase + 1) * N_EDGES + c * _MSG_CH, _MSG_CH)], e1b, sem)
        scp = pltpu.async_copy(src_hbm.at[pl.ds(c * _MSG_CH, _MSG_CH)], sb, sem)
        dcp = pltpu.async_copy(dst_hbm.at[pl.ds(c * _MSG_CH, _MSG_CH)], db, sem)
        return ecp0, ecp1, scp, dcp

    cps0 = start_chunk(0, 0)
    pltpu.sync_copy(pt_hbm.at[pl.ds(fbase * N_NODES, N_NODES)], p0)
    pltpu.sync_copy(pt_hbm.at[pl.ds((fbase + 1) * N_NODES, N_NODES)], p1)
    zeros = jnp.zeros((_L,), jnp.float32)

    def zero_body(i, _):
        for u in range(5):
            a0[pl.ds((i * 5 + u) * _L, _L)] = zeros
            a1[pl.ds((i * 5 + u) * _L, _L)] = zeros
        return 0

    lax.fori_loop(0, N_NODES // (_L * 5), zero_body, 0)

    def do_chunk(slot):
        e0b, e1b, sb, db = slots[slot]

        def grp_body(i, _):
            msgs = []
            for u in range(_UNROLL):
                g = i * _UNROLL + u
                sv = sb[pl.ds(g * _L, _L)]
                dv = db[pl.ds(g * _L, _L)]
                r0 = plsc.load_gather(p0, [sv])
                e0 = e0b[pl.ds(g * _L, _L)]
                r1 = plsc.load_gather(p1, [sv])
                e1 = e1b[pl.ds(g * _L, _L)]
                msgs.append((dv, jnp.maximum(r0 + e0, 0.0), jnp.maximum(r1 + e1, 0.0)))
            for dv, m0, m1 in msgs:
                plsc.addupdate_scatter(a0, [dv], m0)
                plsc.addupdate_scatter(a1, [dv], m1)
            return 0

        lax.fori_loop(0, _MSG_CH // (_L * _UNROLL), grp_body, 0)

    cps = cps0
    for c in range(_NCHUNK):
        for cp in cps:
            cp.wait()
        if c + 1 < _NCHUNK:
            cps = start_chunk(c + 1, (c + 1) % 2)
        do_chunk(c % 2)

    pltpu.sync_copy(a0, out_hbm.at[pl.ds(fbase * N_NODES, N_NODES)])
    pltpu.sync_copy(a1, out_hbm.at[pl.ds((fbase + 1) * N_NODES, N_NODES)])


@jax.jit
def _sc_msg(pt_flat, et_flat, src, dst):
    k = pl.kernel(
        _msg_body,
        out_type=jax.ShapeDtypeStruct((DIM * N_NODES,), jnp.float32),
        mesh=_SC_MESH,
        scratch_types=[
            pltpu.VMEM((N_NODES,), jnp.float32),
            pltpu.VMEM((N_NODES,), jnp.float32),
            pltpu.VMEM((N_NODES,), jnp.float32),
            pltpu.VMEM((N_NODES,), jnp.float32),
            pltpu.VMEM((_MSG_CH,), jnp.float32),
            pltpu.VMEM((_MSG_CH,), jnp.float32),
            pltpu.VMEM((_MSG_CH,), jnp.float32),
            pltpu.VMEM((_MSG_CH,), jnp.float32),
            pltpu.VMEM((_MSG_CH,), jnp.int32),
            pltpu.VMEM((_MSG_CH,), jnp.int32),
            pltpu.VMEM((_MSG_CH,), jnp.int32),
            pltpu.VMEM((_MSG_CH,), jnp.int32),
            pltpu.SemaphoreType.DMA,
        ],
        compiler_params=_SC_PARAMS,
    )
    return k(pt_flat, et_flat, src, dst)




def _init_body(xt_ref, w0t_ref, b0_ref, mwt_ref, mb_ref, degp_ref,
               out0_ref, pt0_ref, deg_ref):
    out0 = jnp.maximum(jnp.dot(w0t_ref[...], xt_ref[...],
                               preferred_element_type=jnp.float32) + b0_ref[...], 0.0)
    out0_ref[...] = out0
    pt0_ref[...] = jnp.dot(mwt_ref[...], out0,
                           preferred_element_type=jnp.float32) + mb_ref[...]
    deg_ref[...] = jnp.maximum(jnp.sum(degp_ref[...], axis=0, keepdims=True), 1.0)


@jax.jit
def _tc_init(xt, w0t, b0, mwt, mb, degp):
    return pl.pallas_call(
        _init_body,
        out_shape=(
            jax.ShapeDtypeStruct((DIM, N_NODES), jnp.float32),
            jax.ShapeDtypeStruct((DIM, N_NODES), jnp.float32),
            jax.ShapeDtypeStruct((1, N_NODES), jnp.float32),
        ),
    )(xt, w0t, b0, mwt, mb, degp)


_GRU_BLK = 2500


def _gru_body(aggt_ref, ht_ref, deg_ref, wiht_ref, whht_ref, bih_ref, bhh_ref,
              mwt_ref, mb_ref, h2_ref, pt2_ref):
    aggn = aggt_ref[...] / deg_ref[...]
    gi = jnp.dot(wiht_ref[...], aggn, preferred_element_type=jnp.float32) + bih_ref[...]
    gh = jnp.dot(whht_ref[...], ht_ref[...], preferred_element_type=jnp.float32) + bhh_ref[...]
    r = jax.nn.sigmoid(gi[0:DIM] + gh[0:DIM])
    z = jax.nn.sigmoid(gi[DIM:2 * DIM] + gh[DIM:2 * DIM])
    n = jnp.tanh(gi[2 * DIM:3 * DIM] + r * gh[2 * DIM:3 * DIM])
    h2 = (1.0 - z) * n + z * ht_ref[...]
    h2_ref[...] = h2
    pt2_ref[...] = jnp.dot(mwt_ref[...], h2, preferred_element_type=jnp.float32) + mb_ref[...]


@jax.jit
def _tc_gru(aggt, ht, deg, wiht, whht, bih, bhh, mwt, mb):
    return pl.pallas_call(
        _gru_body,
        out_shape=(
            jax.ShapeDtypeStruct((DIM, N_NODES), jnp.float32),
            jax.ShapeDtypeStruct((DIM, N_NODES), jnp.float32),
        ),
    )(aggt, ht, deg, wiht, whht, bih, bhh, mwt, mb)


_EMLP_BLK = 3200


def _emlp_body(eat_ref, w1t_ref, b1_ref, w2t_ref, b2_ref, et_ref):
    h1 = jnp.maximum(jnp.dot(w1t_ref[...], eat_ref[...],
                             preferred_element_type=jnp.float32) + b1_ref[...], 0.0)
    et_ref[...] = jnp.dot(w2t_ref[...], h1,
                          preferred_element_type=jnp.float32) + b2_ref[...]


@jax.jit
def _tc_emlp(eat, w1t, b1, w2t, b2):
    nb = N_EDGES // _EMLP_BLK
    full = lambda s: pl.BlockSpec(s, lambda i: (0, 0))
    col = lambda r: pl.BlockSpec((r, _EMLP_BLK), lambda i: (0, i))
    return pl.pallas_call(
        _emlp_body,
        grid=(nb,),
        in_specs=[col(8), full((DIM, 8)), full((DIM, 1)),
                  full((DIM, DIM)), full((DIM, 1))],
        out_specs=col(DIM),
        out_shape=jax.ShapeDtypeStruct((DIM, N_EDGES), jnp.float32),
    )(eat, w1t, b1, w2t, b2)


def _s2s_body(outt_ref, batch_ref, wih_ref, whh_ref, bih_ref, bhh_ref,
              wihm_ref, bihm_ref, bhhm_ref, hp_ref, cp_ref):
    outt = outt_ref[...]
    bt = batch_ref[...]
    giota = lax.broadcasted_iota(jnp.int32, (N_GRAPHS, 1), 0)
    B = (bt == giota).astype(jnp.float32)
    wih = wih_ref[...]
    whh = whh_ref[...]
    bih = bih_ref[...]
    bhh = bhh_ref[...]
    ht = jnp.zeros((DIM, N_GRAPHS), jnp.float32)
    ct = jnp.zeros((DIM, N_GRAPHS), jnp.float32)
    qt = jnp.zeros((2 * DIM, N_GRAPHS), jnp.float32)
    for _ in range(6):
        g = jnp.dot(wih, qt, preferred_element_type=jnp.float32) \
            + jnp.dot(whh, ht, preferred_element_type=jnp.float32) + bih + bhh
        ii = jax.nn.sigmoid(g[0:DIM])
        ff = jax.nn.sigmoid(g[DIM:2 * DIM])
        gg = jnp.tanh(g[2 * DIM:3 * DIM])
        oo = jax.nn.sigmoid(g[3 * DIM:4 * DIM])
        ct = ff * ct + ii * gg
        ht = oo * jnp.tanh(ct)
        hn = jnp.dot(ht, B, preferred_element_type=jnp.float32)
        e = jnp.sum(outt * hn, axis=0, keepdims=True)
        emax = jnp.max(jnp.where(B > 0.0, e, -1e30), axis=1, keepdims=True)
        emax_n = jnp.dot(emax.reshape(1, N_GRAPHS), B,
                         preferred_element_type=jnp.float32)
        ex = jnp.exp(e - emax_n)
        den = jnp.sum(B * ex, axis=1, keepdims=True)
        den_n = jnp.dot(den.reshape(1, N_GRAPHS), B,
                        preferred_element_type=jnp.float32)
        a = ex / (den_n + 1e-16)
        rt = jnp.dot(outt * a, B.T, preferred_element_type=jnp.float32)
        qt = jnp.concatenate([ht, rt], axis=0)
    gm = jnp.dot(wihm_ref[...], qt, preferred_element_type=jnp.float32) \
        + bihm_ref[...] + bhhm_ref[...]
    im = jax.nn.sigmoid(gm[0:DIM])
    gm2 = jnp.tanh(gm[2 * DIM:3 * DIM])
    om = jax.nn.sigmoid(gm[3 * DIM:4 * DIM])
    cpt = im * gm2
    hp_ref[...] = om * jnp.tanh(cpt)
    cp_ref[...] = cpt


@jax.jit
def _tc_s2s(outt, batch_row, wihT, whhT, bih, bhh, wihmT, bihm, bhhm):
    return pl.pallas_call(
        _s2s_body,
        out_shape=(
            jax.ShapeDtypeStruct((DIM, N_GRAPHS), jnp.float32),
            jax.ShapeDtypeStruct((DIM, N_GRAPHS), jnp.float32),
        ),
    )(outt, batch_row, wihT, whhT, bih, bhh, wihmT, bihm, bhhm)


_NTOR = N_GRAPHS * TPG


def _head_body(hpt_ref, gath_ref, w1_ref, b1_ref, w2_ref, b2_ref,
               hvt_ref, w1c_ref, b1c_ref, w2c_ref, b2c_ref, gn_ref,
               act_ref, lp_ref, ent_ref, v_ref):
    giota = lax.broadcasted_iota(jnp.int32, (N_GRAPHS, 1), 0)
    jg = lax.broadcasted_iota(jnp.int32, (1, _NTOR), 1) // TPG
    R = (jg == giota).astype(jnp.float32)
    sel = jnp.dot(hpt_ref[...], R, preferred_element_type=jnp.float32)
    cat = jnp.concatenate([sel, gath_ref[...]], axis=0)
    h1 = jnp.maximum(jnp.dot(w1_ref[...], cat,
                             preferred_element_type=jnp.float32) + b1_ref[...], 0.0)
    logits = jnp.dot(w2_ref[...], h1,
                     preferred_element_type=jnp.float32) + b2_ref[...]
    m = jnp.max(logits, axis=0, keepdims=True)
    sh = logits - m
    lse = jnp.log(jnp.sum(jnp.exp(sh), axis=0, keepdims=True))
    logp = sh - lse
    per = gn_ref[...] + logits
    pm = jnp.max(per, axis=0, keepdims=True)
    riota = lax.broadcasted_iota(jnp.int32, (ACTION_DIM, _NTOR), 0)
    act = jnp.min(jnp.where(per == pm, riota, ACTION_DIM), axis=0, keepdims=True)
    act_ref[...] = act
    lp_ref[...] = jnp.sum(jnp.where(riota == act, logp, 0.0), axis=0, keepdims=True)
    ent_ref[...] = -jnp.sum(jnp.exp(logp) * logp, axis=0, keepdims=True)
    h1c = jnp.maximum(jnp.dot(w1c_ref[...], hvt_ref[...],
                              preferred_element_type=jnp.float32) + b1c_ref[...], 0.0)
    v_ref[...] = jnp.dot(w2c_ref[...], h1c,
                         preferred_element_type=jnp.float32) + b2c_ref[...]


@jax.jit
def _tc_head(hpt, gath, w1, b1, w2, b2, hvt, w1c, b1c, w2c, b2c, gn):
    return pl.pallas_call(
        _head_body,
        out_shape=(
            jax.ShapeDtypeStruct((1, _NTOR), jnp.int32),
            jax.ShapeDtypeStruct((1, _NTOR), jnp.float32),
            jax.ShapeDtypeStruct((1, _NTOR), jnp.float32),
            jax.ShapeDtypeStruct((1, N_GRAPHS), jnp.float32),
        ),
    )(hpt, gath, w1, b1, w2, b2, hvt, w1c, b1c, w2c, b2c, gn)


def _gat_body(pa_hbm, nr_hbm, out_hbm, q0, q1, idx_buf, ob0, ob1, sem):
    wid = lax.axis_index("s") * _NC + lax.axis_index("c")
    fbase = wid * _FPW
    pltpu.sync_copy(pa_hbm.at[pl.ds(fbase * N_NODES, N_NODES)], q0)
    pltpu.sync_copy(pa_hbm.at[pl.ds((fbase + 1) * N_NODES, N_NODES)], q1)
    for k in range(4):
        pltpu.sync_copy(nr_hbm.at[pl.ds(k * _NTOR, _NTOR)], idx_buf)

        def gat_grp(g, _):
            iv = idx_buf[pl.ds(g * _L, _L)]
            ob0[pl.ds(g * _L, _L)] = plsc.load_gather(q0, [iv])
            ob1[pl.ds(g * _L, _L)] = plsc.load_gather(q1, [iv])
            return 0

        lax.fori_loop(0, _NTOR // _L, gat_grp, 0)
        pltpu.sync_copy(ob0, out_hbm.at[pl.ds((DIM * k + fbase) * _NTOR, _NTOR)])
        pltpu.sync_copy(ob1, out_hbm.at[pl.ds((DIM * k + fbase + 1) * _NTOR, _NTOR)])


@jax.jit
def _sc_gather(pa_flat, nr_flat):
    k = pl.kernel(
        _gat_body,
        out_type=jax.ShapeDtypeStruct((4 * DIM * _NTOR,), jnp.float32),
        mesh=_SC_MESH,
        scratch_types=[
            pltpu.VMEM((N_NODES,), jnp.float32),
            pltpu.VMEM((N_NODES,), jnp.float32),
            pltpu.VMEM((_NTOR,), jnp.int32),
            pltpu.VMEM((_NTOR,), jnp.float32),
            pltpu.VMEM((_NTOR,), jnp.float32),
            pltpu.SemaphoreType.DMA,
        ],
        compiler_params=_SC_PARAMS,
    )
    return k(pa_flat, nr_flat)


def _gru_cell(x, h, Wih, Whh, bih, bhh):
    gi = x @ Wih + bih
    gh = h @ Whh + bhh
    ir, iz, inn = jnp.split(gi, 3, axis=-1)
    hr, hz, hn = jnp.split(gh, 3, axis=-1)
    r = jax.nn.sigmoid(ir + hr)
    z = jax.nn.sigmoid(iz + hz)
    n = jnp.tanh(inn + r * hn)
    return (1.0 - z) * n + z * h


def _mpnn(p, x, src, dst, edge_attr, degp):
    out = jax.nn.relu(x @ p['lin0_W'] + p['lin0_b'])
    e = jax.nn.relu(edge_attr @ p['e_W1'] + p['e_b1']) @ p['e_W2'] + p['e_b2']
    deg = jnp.maximum(jnp.sum(degp, axis=0), 1.0)[:, None]
    eT = e.T.reshape(-1)
    h = out
    for _ in range(6):
        pt = (out @ p['m_W'] + p['m_b']).T.reshape(-1)
        agg = _sc_msg(pt, eT, src, dst).reshape(DIM, N_NODES).T / deg
        h = _gru_cell(agg, h, p['g_Wih'], p['g_Whh'], p['g_bih'], p['g_bhh'])
        out = h
    return out.T


def _lstm_cell(x, h, c, Wih, Whh, bih, bhh):
    g = x @ Wih + h @ Whh + bih + bhh
    i, f, gg, o = jnp.split(g, 4, axis=-1)
    i = jax.nn.sigmoid(i)
    f = jax.nn.sigmoid(f)
    gg = jnp.tanh(gg)
    o = jax.nn.sigmoid(o)
    c2 = f * c + i * gg
    h2 = o * jnp.tanh(c2)
    return h2, c2


def _set2set(p, out, batch):
    h = jnp.zeros((N_GRAPHS, DIM), jnp.float32)
    c = jnp.zeros((N_GRAPHS, DIM), jnp.float32)
    q_star = jnp.zeros((N_GRAPHS, 2 * DIM), jnp.float32)
    for _ in range(6):
        h, c = _lstm_cell(q_star, h, c, p['Wih'], p['Whh'], p['bih'], p['bhh'])
        e = jnp.sum(out * h[batch], axis=-1)
        emax = jax.ops.segment_max(e, batch, num_segments=N_GRAPHS)
        ex = jnp.exp(e - emax[batch])
        den = jax.ops.segment_sum(ex, batch, num_segments=N_GRAPHS)
        a = ex / (den[batch] + 1e-16)
        r = jax.ops.segment_sum(a[:, None] * out, batch, num_segments=N_GRAPHS)
        q_star = jnp.concatenate([h, r], axis=-1)
    return q_star


def kernel(x, edge_attr, actor_params, critic_params, edge_index, batch, nonring, nrbidx):
    src = edge_index[0]
    dst = edge_index[1]
    h0 = jnp.zeros((N_GRAPHS, DIM), jnp.float32)
    c0 = jnp.zeros((N_GRAPHS, DIM), jnp.float32)
    degp = _sc_deg(dst)

    outt_a = _mpnn(actor_params['mpnn'], x, src, dst, edge_attr, degp)
    out_a = outt_a.T
    pool_a = _set2set(actor_params['s2s'], out_a, batch)
    mp = actor_params['mem']
    hp, cp = _lstm_cell(pool_a, h0, c0, mp['Wih'], mp['Whh'], mp['bih'], mp['bhh'])
    lstm_sel = hp[nrbidx]
    gath = _sc_gather(outt_a.reshape(-1),
                      nonring.T.reshape(-1)).reshape(4 * DIM, _NTOR).T
    cat = jnp.concatenate([lstm_sel, gath], axis=1)
    ap = actor_params['mlp']
    logits = (jax.nn.relu(cat @ ap['W1'] + ap['b1']) @ ap['W2'] + ap['b2']).reshape(N_GRAPHS, TPG, ACTION_DIM)
    outt_c = _mpnn(critic_params['mpnn'], x, src, dst, edge_attr, degp)
    out_c = outt_c.T
    pool_c = _set2set(critic_params['s2s'], out_c, batch)
    mc = critic_params['mem']
    hv, cv = _lstm_cell(pool_c, h0, c0, mc['Wih'], mc['Whh'], mc['bih'], mc['bhh'])
    cpp = critic_params['mlp']
    v = jax.nn.relu(hv @ cpp['W1'] + cpp['b1']) @ cpp['W2'] + cpp['b2']
    gnoise = jax.random.gumbel(jax.random.key(1234), (N_GRAPHS, TPG, ACTION_DIM), jnp.float32)
    logp_all = jax.nn.log_softmax(logits, axis=-1)
    action = jnp.argmax(gnoise + logits, axis=-1)
    log_prob = jnp.take_along_axis(logp_all, action[..., None], axis=-1)[..., 0]
    entropy = -jnp.sum(jnp.exp(logp_all) * logp_all, axis=-1)
    return (action, log_prob, entropy, v, hp, cp, hv, cv)

# --- scband reference (transcript-rebuilt; emitter-appended) ---
"""Pipeline reference for scband-rtgnrecurrent-30983894073442 (READ-ONLY COPY).

The authoritative reference and input builder live on the scoring server;
editing this copy changes nothing except your own understanding.
"""

import jax, jax.numpy as jnp
import numpy as np

N_NODES = 10000
N_EDGES = 320000
DIM = 64
EDGE_DIM = 7
POINT_DIM = 3
N_GRAPHS = 128
TPG = 16
ACTION_DIM = 36


def _lstm_cell(x, h, c, Wih, Whh, bih, bhh):
    g = x @ Wih + h @ Whh + bih + bhh
    i, f, gg, o = jnp.split(g, 4, axis=-1)
    i = jax.nn.sigmoid(i)
    f = jax.nn.sigmoid(f)
    gg = jnp.tanh(gg)
    o = jax.nn.sigmoid(o)
    c2 = f * c + i * gg
    h2 = o * jnp.tanh(c2)
    return h2, c2


def _gru_cell(x, h, Wih, Whh, bih, bhh):
    gi = x @ Wih + bih
    gh = h @ Whh + bhh
    ir, iz, inn = jnp.split(gi, 3, axis=-1)
    hr, hz, hn = jnp.split(gh, 3, axis=-1)
    r = jax.nn.sigmoid(ir + hr)
    z = jax.nn.sigmoid(iz + hz)
    n = jnp.tanh(inn + r * hn)
    return (1.0 - z) * n + z * h


def _mpnn(p, x, src, dst, edge_attr):
    out = jax.nn.relu(x @ p['lin0_W'] + p['lin0_b'])
    e = jax.nn.relu(edge_attr @ p['e_W1'] + p['e_b1']) @ p['e_W2'] + p['e_b2']
    deg = jax.ops.segment_sum(jnp.ones((src.shape[0],), jnp.float32), dst, num_segments=N_NODES)
    deg = jnp.maximum(deg, 1.0)[:, None]
    h = out
    for _ in range(6):
        msg = jax.nn.relu(out[src] @ p['m_W'] + p['m_b'] + e)
        agg = jax.ops.segment_sum(msg, dst, num_segments=N_NODES) / deg
        h = _gru_cell(agg, h, p['g_Wih'], p['g_Whh'], p['g_bih'], p['g_bhh'])
        out = h
    return out


def _set2set(p, out, batch):
    h = jnp.zeros((N_GRAPHS, DIM), jnp.float32)
    c = jnp.zeros((N_GRAPHS, DIM), jnp.float32)
    q_star = jnp.zeros((N_GRAPHS, 2 * DIM), jnp.float32)
    for _ in range(6):
        h, c = _lstm_cell(q_star, h, c, p['Wih'], p['Whh'], p['bih'], p['bhh'])
        e = jnp.sum(out * h[batch], axis=-1)
        emax = jax.ops.segment_max(e, batch, num_segments=N_GRAPHS)
        ex = jnp.exp(e - emax[batch])
        den = jax.ops.segment_sum(ex, batch, num_segments=N_GRAPHS)
        a = ex / (den[batch] + 1e-16)
        r = jax.ops.segment_sum(a[:, None] * out, batch, num_segments=N_GRAPHS)
        q_star = jnp.concatenate([h, r], axis=-1)
    return q_star


def _net_params(key, mlp_in, mlp_out):
    ks = jax.random.split(key, 24)
    w = lambda k, s: jax.random.normal(k, s, jnp.float32) * 0.05
    p = {}
    p['mpnn'] = {'lin0_W': w(ks[0], (POINT_DIM, DIM)), 'lin0_b': w(ks[1], (DIM,)),
                 'e_W1': w(ks[2], (EDGE_DIM, DIM)), 'e_b1': w(ks[3], (DIM,)),
                 'e_W2': w(ks[4], (DIM, DIM)), 'e_b2': w(ks[5], (DIM,)),
                 'm_W': w(ks[6], (DIM, DIM)), 'm_b': w(ks[7], (DIM,)),
                 'g_Wih': w(ks[8], (DIM, 3 * DIM)), 'g_Whh': w(ks[9], (DIM, 3 * DIM)),
                 'g_bih': w(ks[10], (3 * DIM,)), 'g_bhh': w(ks[11], (3 * DIM,))}
    p['s2s'] = {'Wih': w(ks[12], (2 * DIM, 4 * DIM)), 'Whh': w(ks[13], (DIM, 4 * DIM)),
                'bih': w(ks[14], (4 * DIM,)), 'bhh': w(ks[15], (4 * DIM,))}
    p['mem'] = {'Wih': w(ks[16], (2 * DIM, 4 * DIM)), 'Whh': w(ks[17], (DIM, 4 * DIM)),
                'bih': w(ks[18], (4 * DIM,)), 'bhh': w(ks[19], (4 * DIM,))}
    p['mlp'] = {'W1': w(ks[20], (mlp_in, DIM)), 'b1': w(ks[21], (DIM,)),
                'W2': w(ks[22], (DIM, mlp_out)), 'b2': w(ks[23], (mlp_out,))}
    return p


def setup_inputs(seed: int = 0):
    key = jax.random.key(seed)
    ks = jax.random.split(key, 8)
    x = jax.random.normal(ks[0], (N_NODES, POINT_DIM), jnp.float32)
    edge_index = jax.random.randint(ks[1], (2, N_EDGES), 0, N_NODES, dtype=jnp.int32)
    edge_attr = jax.random.uniform(ks[2], (N_EDGES, EDGE_DIM), jnp.float32)
    batch = jnp.sort(jax.random.randint(ks[3], (N_NODES,), 0, N_GRAPHS, dtype=jnp.int32))
    nonring = jax.random.randint(ks[4], (N_GRAPHS * TPG, 4), 0, N_NODES, dtype=jnp.int32)
    nrbidx = jnp.repeat(jnp.arange(N_GRAPHS, dtype=jnp.int32), TPG)
    actor_params = _net_params(ks[5], 5 * DIM, ACTION_DIM)
    critic_params = _net_params(ks[6], DIM, 1)
    return {'x': x, 'edge_attr': edge_attr, 'actor_params': actor_params,
            'critic_params': critic_params, 'edge_index': edge_index,
            'batch': batch, 'nonring': nonring, 'nrbidx': nrbidx}


def reference(x, edge_attr, actor_params, critic_params, edge_index, batch, nonring, nrbidx):
    src = edge_index[0]
    dst = edge_index[1]
    h0 = jnp.zeros((N_GRAPHS, DIM), jnp.float32)
    c0 = jnp.zeros((N_GRAPHS, DIM), jnp.float32)
    # actor
    out_a = _mpnn(actor_params['mpnn'], x, src, dst, edge_attr)
    pool_a = _set2set(actor_params['s2s'], out_a, batch)
    mp = actor_params['mem']
    hp, cp = _lstm_cell(pool_a, h0, c0, mp['Wih'], mp['Whh'], mp['bih'], mp['bhh'])
    lstm_sel = hp[nrbidx]
    gath = out_a[nonring.reshape(-1)].reshape(-1, 4 * DIM)
    cat = jnp.concatenate([lstm_sel, gath], axis=1)
    ap = actor_params['mlp']
    logits = (jax.nn.relu(cat @ ap['W1'] + ap['b1']) @ ap['W2'] + ap['b2']).reshape(N_GRAPHS, TPG, ACTION_DIM)
    # critic
    out_c = _mpnn(critic_params['mpnn'], x, src, dst, edge_attr)
    pool_c = _set2set(critic_params['s2s'], out_c, batch)
    mc = critic_params['mem']
    hv, cv = _lstm_cell(pool_c, h0, c0, mc['Wih'], mc['Whh'], mc['bih'], mc['bhh'])
    cpp = critic_params['mlp']
    v = jax.nn.relu(hv @ cpp['W1'] + cpp['b1']) @ cpp['W2'] + cpp['b2']
    # categorical sample / log_prob / entropy
    logp_all = jax.nn.log_softmax(logits, axis=-1)
    action = jax.random.categorical(jax.random.key(1234), logits, axis=-1)
    log_prob = jnp.take_along_axis(logp_all, action[..., None], axis=-1)[..., 0]
    entropy = -jnp.sum(jnp.exp(logp_all) * logp_all, axis=-1)
    return (action, log_prob, entropy, v, hp, cp, hv, cv)

if __name__ == "__main__":
    import jax
    _d = setup_inputs()
    print(jax.jit(kernel)(*tuple(_d.values())))

</pallas_src>

<mosaic_0001>
#map = affine_map<(d0, d1) -> (0)>
#map1 = affine_map<(d0, d1) -> (0, 0)>
module attributes {stable_mosaic.version = 14 : i64} {
  func.func @_deg_body(%arg0: i32, %arg1: i32, %arg2: memref<320000xi32, #tpu.memory_space<hbm>>, %arg3: memref<32x10000xf32, #tpu.memory_space<hbm>>, %arg4: memref<10000xi32, #tpu.memory_space<vmem>>, %arg5: memref<10000xf32, #tpu.memory_space<vmem>>, %arg6: memref<!tpu.dma_semaphore, #tpu.memory_space<semaphore_mem>>) attributes {dimension_semantics = [#tpu.dimension_semantics<core_parallel>, #tpu.dimension_semantics<subcore_parallel>], iteration_bounds = array<i64: 2, 16>, scalar_prefetch = 0 : i64, scratch_operands = 3 : i64, tpu.core_type = #tpu.core_type<sc_vector_subcore>, window_params = [{transform_indices = #map}, {transform_indices = #map1}]} {
    %mul3A = arith.constant 2 : i32
    %mul3A_0 = arith.muli %arg1, %mul3A : i32
    %add3A = arith.addi %mul3A_0, %arg0 : i32
    %mul3A_1 = arith.constant 10000 : i32
    %mul3A_2 = arith.muli %add3A, %mul3A_1 : i32
    "tpu.region"() ({
      %run_scoped3A = tpu.sem_alloc : memref<!tpu.dma_semaphore, #tpu.memory_space<semaphore_mem>>
      %dma_start3A = tpu.memref_slice %arg2[%mul3A_2] : memref<320000xi32, #tpu.memory_space<hbm>> -> memref<10000xi32, #tpu.memory_space<hbm>>
      %dma_start3A_19 = tpu.memref_slice %arg2[%mul3A_2] : memref<320000xi32, #tpu.memory_space<hbm>> -> memref<10000xi32, #tpu.memory_space<hbm>>
      tpu.enqueue_dma source(%dma_start3A_19 : memref<10000xi32, #tpu.memory_space<hbm>>) target(%arg4 : memref<10000xi32, #tpu.memory_space<vmem>>) target_semaphore(%run_scoped3A : memref<!tpu.dma_semaphore, #tpu.memory_space<semaphore_mem>>)
      %dma_wait3A = tpu.memref_slice %arg2[%mul3A_2] : memref<320000xi32, #tpu.memory_space<hbm>> -> memref<10000xi32, #tpu.memory_space<hbm>>
      %dma_wait3A_20 = tpu.memref_slice %arg2[%mul3A_2] : memref<320000xi32, #tpu.memory_space<hbm>> -> memref<10000xi32, #tpu.memory_space<hbm>>
      tpu.wait_dma2 semaphore(%run_scoped3A : memref<!tpu.dma_semaphore, #tpu.memory_space<semaphore_mem>>) src(%dma_wait3A_20 : memref<10000xi32, #tpu.memory_space<hbm>>) dst(%arg4 : memref<10000xi32, #tpu.memory_space<vmem>>)
      tpu.yield
    }) : () -> ()
    %broadcast_in_dim3A = arith.constant 0.000000e+00 : f32
    %broadcast_in_dim3A_3 = vector.broadcast %broadcast_in_dim3A : f32 to vector<16xf32>
    %broadcast_in_dim3A_4 = arith.constant 1.000000e+00 : f32
    %broadcast_in_dim3A_5 = vector.broadcast %broadcast_in_dim3A_4 : f32 to vector<16xf32>
    %scan3A = arith.constant 0 : i32
    %scan3A_6 = arith.constant 0 : i32
    %scan3A_7 = arith.constant 625 : i32
    %scan3A_8 = arith.addi %scan3A_6, %scan3A_7 : i32
    %scan3A_9 = arith.constant 1 : i32
    %scan3A_10 = scf.for %scan3A_19 = %scan3A_6 to %scan3A_8 step %scan3A_9 iter_args(%scan3A_20 = %scan3A) -> (i32)  : i32 {
      %mul3A_21 = arith.constant 16 : i32
      %mul3A_22 = arith.muli %scan3A_19, %mul3A_21 : i32
      %swap3A = arith.index_cast %mul3A_22 : i32 to index
      %swap3A_23 = tpu.vector_load %arg5[%swap3A] {strides = array<i32>} : memref<10000xf32, #tpu.memory_space<vmem>>, vector<16xf32>,
      tpu.vector_store %arg5[%swap3A], %broadcast_in_dim3A_3 {strides = array<i32>} : memref<10000xf32, #tpu.memory_space<vmem>>, vector<16xf32>,
      %scan3A_24 = arith.constant 0 : i32
      scf.yield %scan3A_24 : i32
    }
    %scan3A_11 = arith.constant 625 : i32
    %scan3A_12 = arith.constant 0 : i32
    %scan3A_13 = arith.constant 0 : i32
    %scan3A_14 = arith.constant 625 : i32
    %scan3A_15 = arith.addi %scan3A_13, %scan3A_14 : i32
    %scan3A_16 = arith.constant 1 : i32
    %scan3A_17 = scf.for %scan3A_19 = %scan3A_13 to %scan3A_15 step %scan3A_16 iter_args(%scan3A_20 = %scan3A_12) -> (i32)  : i32 {
      %mul3A_21 = arith.constant 16 : i32
      %mul3A_22 = arith.muli %scan3A_19, %mul3A_21 : i32
      %get3A = arith.index_cast %mul3A_22 : i32 to index
      %get3A_23 = tpu.vector_load %arg4[%get3A] {strides = array<i32>} : memref<10000xi32, #tpu.memory_space<vmem>>, vector<16xi32>,
      tpu.vector_store_idx %arg5[%get3A_23], %broadcast_in_dim3A_5 {add = true} : memref<10000xf32, #tpu.memory_space<vmem>>[vector<16xi32>], vector<16xf32>,
      %scan3A_24 = arith.constant 0 : i32
      scf.yield %scan3A_24 : i32
    }
    %scan3A_18 = arith.constant 625 : i32
    "tpu.region"() ({
      %run_scoped3A = tpu.sem_alloc : memref<!tpu.dma_semaphore, #tpu.memory_space<semaphore_mem>>
      %dma_start3A = arith.constant 0 : i32
      %dma_start3A_19 = tpu.memref_slice %arg3[%add3A, %dma_start3A] : memref<32x10000xf32, #tpu.memory_space<hbm>> -> memref<1x10000xf32, #tpu.memory_space<hbm>>
      %dma_start3A_20 = tpu.memref_squeeze %dma_start3A_19 : memref<1x10000xf32, #tpu.memory_space<hbm>> -> memref<10000xf32, #tpu.memory_space<hbm>>
      %dma_start3A_21 = arith.constant 0 : i32
      %dma_start3A_22 = tpu.memref_slice %arg3[%add3A, %dma_start3A_21] : memref<32x10000xf32, #tpu.memory_space<hbm>> -> memref<1x10000xf32, #tpu.memory_space<hbm>>
      %dma_start3A_23 = tpu.memref_squeeze %dma_start3A_22 : memref<1x10000xf32, #tpu.memory_space<hbm>> -> memref<10000xf32, #tpu.memory_space<hbm>>
      tpu.enqueue_dma source(%arg5 : memref<10000xf32, #tpu.memory_space<vmem>>) target(%dma_start3A_23 : memref<10000xf32, #tpu.memory_space<hbm>>) target_semaphore(%run_scoped3A : memref<!tpu.dma_semaphore, #tpu.memory_space<semaphore_mem>>)
      %dma_wait3A = arith.constant 0 : i32
      %dma_wait3A_24 = tpu.memref_slice %arg3[%add3A, %dma_wait3A] : memref<32x10000xf32, #tpu.memory_space<hbm>> -> memref<1x10000xf32, #tpu.memory_space<hbm>>
      %dma_wait3A_25 = tpu.memref_squeeze %dma_wait3A_24 : memref<1x10000xf32, #tpu.memory_space<hbm>> -> memref<10000xf32, #tpu.memory_space<hbm>>
      %dma_wait3A_26 = arith.constant 0 : i32
      %dma_wait3A_27 = tpu.memref_slice %arg3[%add3A, %dma_wait3A_26] : memref<32x10000xf32, #tpu.memory_space<hbm>> -> memref<1x10000xf32, #tpu.memory_space<hbm>>
      %dma_wait3A_28 = tpu.memref_squeeze %dma_wait3A_27 : memref<1x10000xf32, #tpu.memory_space<hbm>> -> memref<10000xf32, #tpu.memory_space<hbm>>
      tpu.wait_dma2 semaphore(%run_scoped3A : memref<!tpu.dma_semaphore, #tpu.memory_space<semaphore_mem>>) src(%arg5 : memref<10000xf32, #tpu.memory_space<vmem>>) dst(%dma_wait3A_28 : memref<10000xf32, #tpu.memory_space<hbm>>)
      tpu.yield
    }) : () -> ()
    return
  }
}

</mosaic_0001>

<sc_bundles>
// kernel: _sc_deg.3.cloned.1.call-start
scs
__scs_entry_jumppad:
0x0: {  	(pc) =	sbr.rel $0x88, $3  }
0x1: {  	(tag) =	ssettag $0x0;
	lr =	simm.s32 $0x1  }
0x2: {  	[smem:$0x3FA0] =	sst lr;
	_ =	strace $0xD0000000  }
0x3: {  	_ = 	snop  }
0x4: {  	_ = 	snop  }
0x5: {  	_ = 	snop  }
0x6: {  	_ = 	snop  }
0x7: {  	_ = 	snop  }
__scs_overlays_trampoline_lowered:
0x8: {  	[smem:$0x3FAF] =	sst s0  }
0x9: {  	[smem:$0x3FB0] =	sst s1  }
0xa: {  	[smem:$0x3FB1] =	sst s2  }
0xb: {  	[smem:$0x3FB2] =	sst s3  }
0xc: {  	[smem:$0x3FB3] =	sst s4  }
0xd: {  	[smem:$0x3FB4] =	sst s5  }
0xe: {  	[smem:$0x3FB5] =	sst s6  }
0xf: {  	[smem:$0x3FB6] =	sst s7  }
0x10: {  	[smem:$0x3FB7] =	sst s8  }
0x11: {  	[smem:$0x3FB8] =	sst s9;
	s0 =	simm.s32 @!p0 $0x0  }
0x12: {  	s1 =	sld [smem:$0x3F9E];
	s0 =	simm.s32 @p0 $0x1  }
0x13: {  	[smem:$0x3FB9] =	sst s0;
	s0 =	simm.s32 @!p1 $0x0  }
0x14: {  	s2 =	sld [smem:$0x3F9D];
	s0 =	simm.s32 @p1 $0x1  }
0x15: {  	[smem:$0x3FBA] =	sst s0;
	s0 =	simm.s32 @!p2 $0x0  }
0x16: {  	s3 =	sld [smem:$0x3FDB];
	s0 =	simm.s32 @p2 $0x1  }
0x17: {  	s4 =	simm.s32 $0x1BF5;
	[smem:$0x3FBC] =	sst s0  }
0x18: {  	s0 =	sld [smem:$0x3F9F];
	_ =	swait.ge [sflag:s4], $0x0  }
0x19: {  	s7 =	sld [smem:$0x3FA0]  }
0x1a: {  	s8 =	sadd.s32 $0xFFFFE003, lr  }
0x1b: {  	s9 =	sadd.s32 $0xFFFFFEF7, lr;
	s5 =	simm.s32 $0xFFFFFFFF;
	p2 =	slt.u32 s8, $0xFFFFF086  }
0x1c: {  	p1 =	slt.u32 s9, $0xF7A;
	s5 =	simm.s32 @!p2 $0x0  }
0x1d: {  	s5 =	simm.s32 @p1 $0x1;
	p0 =	seq.s32 s7, s2  }
0x1e: {  	s7 =	smul.u32 @!p0 $0xF7A, s2;
	p2 =	seq.s32 @!p0 s5, $0x0  }
0x1f: {  	s9 =	smul.u32 $0xF7A, s1;
	s8 =	simm.s32 @!p0 $0x1BF5;
	p2 =	por !p2, p0  }
0x20: {  	[sflag:s8] =	ssyncset.s32 @!p0 $0xFFFFF086;
	s6 =	sadd.s32 @!p0 s3, s7;
	s7 =	simm.s32 @!p0 $0x108  }
0x21: {  	s3 =	sadd.s32 s3, s9;
	s6 =	sadd.s32 @!p0 $0x88, s6;
	s7 =	simm.s32 @p2 $0x1082  }
0x22: {  	[simem:s7], [sflag:s8] =	dma.local @!p0 [hbm:s6], $0xF7A  }
0x23: {  	s9 =	sor.u32 $0xD0000000, s2;
	s6 =	simm.s32 $0x108;
	_ =	swait.ge @!p0 [sflag:s8], $0x0  }
0x24: {  	s3 =	sadd.s32 $0x88, s3;
	s6 =	simm.s32 @!p1 $0x1082;
	[sflag:s4] =	ssyncset.s32 $0xFFFFF086  }
0x25: {  	[simem:s6], [sflag:s4] =	dma.local [hbm:s3], $0xF7A  }
0x26: {  	[smem:$0x3FA0] =	sst s1;
	(tag) =	ssettag s2;
	_ =	strace s9  }
0x27: {  	s1 =	sld [smem:$0x3FB0]  }
0x28: {  	s2 =	sld [smem:$0x3FB1]  }
0x29: {  	s4 =	sld [smem:$0x3FB3]  }
0x2a: {  	p0 =	seq.s32 s5, $0x0;
	s5 =	sld [smem:$0x3FB4]  }
0x2b: {  	s6 =	sld [smem:$0x3FB5]  }
0x2c: {  	s7 =	sld [smem:$0x3FB6]  }
0x2d: {  	s3 =	simm.s32 $0x108;
	s8 =	sld [smem:$0x3FB7]  }
0x2e: {  	s3 =	simm.s32 @!p0 $0x1082;
	s9 =	sld [smem:$0x3FB8]  }
0x2f: {  	lr =	sadd.s32 s0, s3;
	s0 =	sld [smem:$0x3FAF]  }
0x30: {  	s3 =	sld [smem:$0x3FB2]  }
0x31: {  	[smem:$0x3FBB] =	sst s10  }
0x32: {  	s10 =	sld [smem:$0x3FB9];
	_ =	sdelay $0x3  }
0x33: {  	p0 =	seq.s32 s10, $0x1;
	s10 =	sld [smem:$0x3FBB];
	_ =	sdelay $0x3  }
0x34: {  	[smem:$0x3FBB] =	sst s10  }
0x35: {  	s10 =	sld [smem:$0x3FBA];
	_ =	sdelay $0x3  }
0x36: {  	p1 =	seq.s32 s10, $0x1;
	s10 =	sld [smem:$0x3FBB];
	_ =	sdelay $0x3  }
0x37: {  	[smem:$0x3FBB] =	sst s10  }
0x38: {  	s10 =	sld [smem:$0x3FBC]  }
0x39: {  	_ = 	snop;
	(pc) =	sbr.ind lr, $3  }
0x3a: {  	_ = 	snop  }
0x3b: {  	_ = 	snop  }
0x3c: {  	p2 =	seq.s32 s10, $0x1;
	s10 =	sld [smem:$0x3FBB]  }
0x3d: {  	_ =	shalt  }
0x3e: {  	_ =	shalt  }
0x3f: {  	_ =	shalt  }
0x40: {  	_ =	shalt  }
0x41: {  	_ =	shalt  }
0x42: {  	_ =	shalt  }
0x43: {  	_ =	shalt  }
0x44: {  	_ =	shalt  }
0x45: {  	_ =	shalt  }
0x46: {  	_ =	shalt  }
0x47: {  	_ =	shalt  }
0x48: {  	_ =	shalt  }
0x49: {  	_ =	shalt  }
0x4a: {  	_ =	shalt  }
0x4b: {  	_ =	shalt  }
0x4c: {  	_ =	shalt  }
0x4d: {  	_ =	shalt  }
0x4e: {  	_ =	shalt  }
0x4f: {  	_ =	shalt  }
0x50: {  	_ =	shalt  }
0x51: {  	_ =	shalt  }
0x52: {  	_ =	shalt  }
0x53: {  	_ =	shalt  }
0x54: {  	_ =	shalt  }
0x55: {  	_ =	shalt  }
0x56: {  	_ =	shalt  }
0x57: {  	_ =	shalt  }
0x58: {  	_ =	shalt  }
0x59: {  	_ =	shalt  }
0x5a: {  	_ =	shalt  }
0x5b: {  	_ =	shalt  }
0x5c: {  	_ =	shalt  }
0x5d: {  	_ =	shalt  }
0x5e: {  	_ =	shalt  }
0x5f: {  	_ =	shalt  }
0x60: {  	_ =	shalt  }
0x61: {  	_ =	shalt  }
0x62: {  	_ =	shalt  }
0x63: {  	_ =	shalt  }
0x64: {  	_ =	shalt  }
0x65: {  	_ =	shalt  }
0x66: {  	_ =	shalt  }
0x67: {  	_ =	shalt  }
0x68: {  	_ =	shalt  }
0x69: {  	_ =	shalt  }
0x6a: {  	_ =	shalt  }
0x6b: {  	_ =	shalt  }
0x6c: {  	_ =	shalt  }
0x6d: {  	_ =	shalt  }
0x6e: {  	_ =	shalt  }
0x6f: {  	_ =	shalt  }
0x70: {  	_ =	shalt  }
0x71: {  	_ =	shalt  }
0x72: {  	_ =	shalt  }
0x73: {  	_ =	shalt  }
0x74: {  	_ =	shalt  }
0x75: {  	_ =	shalt  }
0x76: {  	_ =	shalt  }
0x77: {  	_ =	shalt  }
0x78: {  	_ =	shalt  }
0x79: {  	_ =	shalt  }
0x7a: {  	_ =	shalt  }
0x7b: {  	_ =	shalt  }
0x7c: {  	_ =	shalt  }
0x7d: {  	_ =	shalt  }
0x7e: {  	_ =	shalt  }
0x7f: {  	_ =	shalt  }
0x80: {  	_ =	shalt  }
0x81: {  	_ =	shalt  }
0x82: {  	_ =	shalt  }
0x83: {  	_ =	shalt  }
0x84: {  	_ =	shalt  }
0x85: {  	_ =	shalt  }
0x86: {  	_ =	shalt  }
0x87: {  	_ =	shalt  }
.Lfunc_end0:
.L_simem_size_0:
called_computation_lowered:
.L_overlay_start_0:
0x88: {  	s2 =	sld [smem:$0x3FD9]  }
0x89: {  	s3 =	sld [smem:$0x3FFE];
	_ =	sdelay $0x1  }
0x8a: {  	s1 =	srdreg.scid  }
0x8b: {  	s0 =	sand.u32 $0x1, s1  }
0x8c: {  	s18 =	sshll.u32 s0, $0xA;
	s2 =	sadd.s32 s3, s2  }
0x8d: {  	s2 =	sadd.s32 s2, s18  }
0x8e: {  	[smem:$0x3FC7] =	sst s2  }
0x8f: {  	_ = 	snop  }
0x90: {  	s2 =	sld [smem:$0x3FC9]  }
0x91: {  	s19 =	sld [smem:$0x3FD0];
	(tm) =	ssettm $0x1  }
0x92: {  	s4 =	sld [smem:$0x3FFB];
	_ =	sdelay $0x3  }
0x93: {  	_ =	strace s4  }
0x94: {  	s4 =	sld [smem:$0x3FFC];
	_ =	sdelay $0x3  }
0x95: {  	_ =	strace s4  }
0x96: {  	s4 =	sld [smem:$0x3FFD];
	_ =	sdelay $0x3  }
0x97: {  	_ =	strace s4  }
0x98: {  	_ =	strace $0x8FFFFFFF  }
0x99: {  	s20 =	sld [smem:$0x3FDB];
	_ =	sdelay $0x1  }
0x9a: {  	s5 =	simm.s32 $_scs_section_size  }
0x9b: {  	s6 =	simm.s32 $_size__tile_overlayer_lowered;
	s7 =	simm.s32 $_tile_overlayer_lowered  }
0x9c: {  	s23 =	simm.s32 $0x1BFF;
	s22 =	sshll.u32 s7, $0x1;
	s4 =	sadd.s32 s5, s20  }
0x9d: {  	s8 =	simm.s32 $0x0;
	s21 =	sshll.u32 s6, $0x1;
	s6 =	sadd.s32 s22, s4  }
0x9e: {  	[timem:s8], [sflag:s23] =	dma.local [hbm:s6], s21  }
0x9f: {  	_ =	swait.ge [sflag:s23], s21  }
0xa0: {  	s5 =	ssub.s32 $0x0, s21;
	[sflag:s23] =	ssyncset.done $0x0  }
0xa1: {  	[sflag:s23] =	ssyncadd.s32 s5;
	_ =	sdelay $0x1  }
0xa2: {  	s24 =	simm.s32 $0x1B8B  }
0xa3: {  	_ =	swait.ge [sflag:s24], $0x1  }
0xa4: {  	[sflag:s24] =	ssyncset.done $0x0  }
0xa5: {  	s25 =	simm.s32 $0x1B8E;
	[sflag:s24] =	ssyncadd.s32 $0xFFFFFFFF  }
0xa6: {  	s26 =	simm.s32 $execute0_lowered;
	[smem:$0x3FD2] =	sst s25  }
0xa7: {  	s5 =	sshll.u32 s26, $0x1;
	_ =	strace $0x80000046;
	[dreg:$0x1] =	wrdreg $0xFFFFFFFF  }
0xa8: {  	s28 =	simm.s32 $_size_execute0_lowered;
	s4 =	sadd.s32 s4, s5;
	[dreg:$0x0] =	wrdreg $0x0  }
0xa9: {  	s5 =	sshll.u32 s28, $0x1;
	[dreg:$0x2] =	wrdreg s4  }
0xaa: {  	[dreg:$0x3] =	wrdreg s5  }
0xab: {  	[dreg:$0x4] =	wrdreg $0xC0  }
0xac: {  	_ =	task [dreg:s8], $0x5FFFF  }
0xad: {  	[dreg:$0x1] =	wrdreg $0xFFFFFFFF  }
0xae: {  	[dreg:$0x0] =	wrdreg $0x60  }
0xaf: {  	[dreg:$0x2] =	wrdreg s2  }
0xb0: {  	[dreg:$0x3] =	wrdreg s19  }
0xb1: {  	[dreg:$0x4] =	wrdreg $0x9  }
0xb2: {  	_ =	task.clear_ibuf [dreg:s8], $0x5FFFF;
	_ =	strace $0x90000046  }
0xb3: {  	s29 =	simm.s32 $0x9;
	_ =	strace $0x80000048  }
0xb4: {  	_ =	swait.ge [sflag:s29], $0x1  }
0xb5: {  	[sflag:s29] =	ssyncadd.s32 $0xFFFFFFFF  }
0xb6: {  	_ =	strace $0x90000048  }
0xb7: {  	_ =	sfence  }
0xb8: {  	s30 =	sld [smem:$0x0];
	_ =	sdelay $0x2  }
0xb9: {  	s31 =	sshll.u32 s1, $0xD;
	s1 =	sshrl.u32 s1, $0x2  }
0xba: {  	s3 =	sand.u32 $0x4000, s31;
	s1 =	sadd.s32 s1, s30  }
0xbb: {  	s0 =	sor.u32 s3, s0;
	s1 =	sshll.u32 s1, $0x11  }
0xbc: {  	s0 =	sor.u32 s1, s0  }
0xbd: {  	s0 =	sadd.s32 $0x8F2B, s0  }
0xbe: {  	[sflag:s0] =	ssyncadd.remote.s32 $0x1  }
0xbf: {  	_ =	sfence.sel $0xFFFF  }
0xc0: {  	[dreg:$0x0] =	wrdreg $0xFFFFFFFF;
	(pc) =	sbr.abs _section_cstart, $3  }
0xc1: {  	[dreg:$0x1] =	wrdreg $0xFFFFFFFF  }
0xc2: {  	_ =	task.clear_ibuf [dreg:s8], $0x2FFFF;
	_ =	strace $0x9FFFFFFF  }
0xc3: {  	(tm) =	ssettm $0x7FFFFFFF  }
tec
execute0_lowered:
.L_overlay_start_1:
0x0: {  	(tag) =	ssettag $0x1  }
0x1: {  	s3 =	rddreg [dreg:$0x0];
	s1 =	srdreg.scid  }
0x2: {  	s0 =	stileid.u32;
	s4 =	rddreg [dreg:$0x1];
	s9 =	simm.s32 $0x400  }
0x3: {  	s10 =	simm.s32 $0x0;
	s5 =	sand.u32 $0x1, s1;
	s2 =	sshll.u32 s0, $0x1  }
0x4: {  	s1 =	rddreg [dreg:$0x2];
	s7 =	sshrl.u32 s0, $0x2;
	s6 =	sor.u32 s5, s2  }
0x5: {  	s2 =	simm.s32 $0x0;
	s7 =	smul.u32 $0x13C00, s7;
	s5 =	ssub.s32 $0x2, s5  }
0x6: {  	s8 =	sshll.u32 s6, $0x7;
	[smem:$0x7FF] =	sst s2;
	s6 =	smul.u32 $0x4E2, s6  }
0x7: {  	s31 =	sshrl.u32 s5, $0x1;
	s8 =	sand.u32 $0x380, s8;
	_ =	strace $0x80000047  }
0x8: {  	s5 =	ssub.s32 s5, s31;
	s7 =	sor.u32 s7, s8;
	s3 =	sadd.s32 s3, s6  }
0x9: {  	s5 =	smax.u32 s5, $0x1;
	s6 =	simm.s32 $0x1;
	s7 =	sshrl.u32 s7, $0x3  }
0xa: {  	v0 =	vimm.f32 $0.0e+00;
	v1 =	vimm.f32 $1.000000000e+00;
	s8 =	simm.s32 $0x80;
	s4 =	sadd.s32 s4, s7;
	s7 =	simm.s32 $0x2780  }
.LBB2_1:
0xb: {  	[tilespmem:s2], [sflag:$0x1] =	stream.linear.gather [hbm4b:s3+s2], $0x2710, $0x38;
	[tilespmem:$0x4F00] =	vst v63  }
0xc: {  	_ =	swait.ge [sflag:s6], $0x2710  }
0xd: {  	[sflag:s6] =	ssyncset.done $0x0  }
0xe: {  	s11 =	simm.s32 $0x0;
	[sflag:s6] =	ssyncadd.s32 $0xFFFFD8F0  }
.LBB2_2:
0xf: {  	p0 =	sne.s32 s11, $0x9C00  }
.Ltmp0:
0x10: {  	_ = 	snop;
	(pc) =	sbr.rel @p0 .LBB2_2-.Ltmp0, $3  }
0x11: {  	_ =	sdelay $0x1  }
0x12: {  	s12 =	sshra.s32 s11, $0x2  }
0x13: {  	s11 =	sadd.s32 $0x40, s11;
	[tilespmem:s12+$0x2780] =	vst v0  }
0x14: {  	s12 =	simm.s32 $0x0;
	s11 =	simm.s32 $0x40  }
.LBB2_4:
0x15: {  	p0 =	sne.s32 s11, $0x9C00;
	v2 =	vld [tilespmem:s12+$0x0];
	_ =	sdelay $0x3  }
.Ltmp1:
0x16: {  	(pc) =	sbr.rel @p0 .LBB2_4-.Ltmp1, $2  }
0x17: {  	_ =	sdelay $0x2  }
0x18: {  	s12 =	sshra.s32 s11, $0x2;
	s11 =	sadd.s32 $0x40, s11;
	[tilespmem:v2+s7+$0x0] =	vst.idx.add.f32.msk $0xffff, v1  }
0x19: {  	v2 =	vld [tilespmem:s12+$0x0];
	_ =	sdelay $0x5  }
0x1a: {  	s10 =	sadd.s32 $0x1, s10  }
0x1b: {  	p0 =	sne.s32 s10, s5  }
.Ltmp2:
0x1c: {  	[tilespmem:v2+s7+$0x0] =	vst.idx.add.f32.msk $0xffff, v1;
	(pc) =	sbr.rel @p0 .LBB2_1-.Ltmp2, $4  }
0x1d: {  	[hbm4b:s4+s8] =	stream.strided.scatter [tilespmem:s7], [sflag:$0x1], $0x2780, s9, s8, $0x38;
	[tilespmem:$0x4F00] =	vst v63  }
0x1e: {  	_ =	swait.ge [sflag:s6], $0x2780  }
0x1f: {  	[sflag:s6] =	ssyncset.done $0x0  }
0x20: {  	[sflag:s6] =	ssyncadd.s32 $0xFFFFD880  }
0x21: {  	_ =	sfence.sel $0x180000  }
0x22: {  	[bflag:$0x0] =	sbarrier.arrive $0xFFFF  }
0x23: {  	p0 =	sne.s32 s0, $0x0;
	_ =	strace $0x90000047  }
0x24: {  	s0 =	sadd.s32 @!p0 $0x100000, s1;
	[bflag:$0x2] =	sbarrier.arrive $0xFFFF  }
0x25: {  	[sflag:s0] =	ssyncadd.tile.s32 @!p0 $0x1;
	_ =	shalt  }
.Lfunc_end2:
_tile_overlayer_lowered:
.L_overlay_start_2:
0x26: {  	(tag) =	ssettag $0x2  }
0x27: {  	s0 =	rddreg [dreg:$0x0];
	s2 =	stileid.u32  }
0x28: {  	s1 =	rddreg [dreg:$0x1];
	p0 =	sne.s32 s2, $0x0  }
0x29: {  	s3 =	rddreg [dreg:$0x2];
	[bflag:$0x3] =	sbarrier.arrive $0xFFFF;
	s2 =	simm.s32 @!p0 $0x1C01  }
0x2a: {  	[timem:s3], [sflag:s2] =	dma.local @!p0 [hbm:s0], s1  }
0x2b: {  	s0 =	simm.s32 @!p0 $0x1  }
0x2c: {  	_ =	swait.ge @!p0 [sflag:s0], s1  }
0x2d: {  	s1 =	ssub.s32 @!p0 $0x0, s1;
	[sflag:s0] =	ssyncset.done @!p0 $0x0  }
0x2e: {  	[sflag:s0] =	ssyncadd.s32 @!p0 s1  }
0x2f: {  	[bflag:$0x3] =	sbarrier.arrive $0xFFFF  }
0x30: {  	_ =	shalt  }

</sc_bundles>
